<compile_context>
chip_gen: v7x
topology: tpu7x:2x2x1
jax: 0.10.2.dev20260603
libtpu: 0.0.44.dev20260713+nightly
codegen_flags: <defaults>
</compile_context>

<pallas_src>
import functools

import jax
import jax.numpy as jnp
from jax import lax
from jax.experimental import pallas as pl
from jax.experimental.pallas import tpu as pltpu
from jax.experimental.pallas import tpu_sc as plsc

K = 8192
C = 32
B = 8
HW = 64 * 64
N = B * HW

K_CHUNK = 512
N_CHUNKS = K // K_CHUNK


def _argmin_body(z_ref, cb_ref, idx_ref):
    zb = z_ref[0]

    def chunk(i, carry):
        best_val, best_idx = carry
        cbi = cb_ref[pl.ds(i * K_CHUNK, K_CHUNK), :]
        c2 = jnp.sum(cbi * cbi, axis=1, keepdims=True)
        mm = lax.dot_general(cbi, zb, (((1,), (0,)), ((), ())),
                             preferred_element_type=jnp.float32)
        d = c2 - 2.0 * mm
        m = jnp.min(d, axis=0, keepdims=True)
        rows = lax.broadcasted_iota(jnp.int32, (K_CHUNK, HW), 0) + i * K_CHUNK
        cand = jnp.min(jnp.where(d == m, rows, K), axis=0, keepdims=True)
        better = m < best_val
        return (jnp.where(better, m, best_val),
                jnp.where(better, cand, best_idx))

    init = (jnp.full((1, HW), jnp.inf, jnp.float32),
            jnp.zeros((1, HW), jnp.int32))
    _, best_idx = lax.fori_loop(0, N_CHUNKS, chunk, init)
    idx_ref[0] = best_idx


def _nearest_indices(z3, codebook):
    return pl.pallas_call(
        _argmin_body,
        grid=(B,),
        in_specs=[
            pl.BlockSpec((1, C, HW), lambda b: (b, 0, 0)),
            pl.BlockSpec((K, C), lambda b: (0, 0)),
        ],
        out_specs=pl.BlockSpec((1, 1, HW), lambda b: (b, 0, 0)),
        out_shape=jax.ShapeDtypeStruct((B, 1, HW), jnp.int32),
        compiler_params=pltpu.CompilerParams(
            dimension_semantics=("arbitrary",),
        ),
    )(z3, codebook)



_IDX_MINOR = 128


@functools.lru_cache(maxsize=1)
def _build_sc_gather():
    info = plsc.get_sparse_core_info()
    nw = info.num_cores * info.num_subcores
    rows_per_w = N // nw
    idx_rows = rows_per_w // _IDX_MINOR

    def body(cb_hbm, idx_hbm, out_hbm, idx_v, rows_v, sem):
        wid = lax.axis_index("s") * info.num_cores + lax.axis_index("c")
        base = wid * idx_rows
        pltpu.sync_copy(idx_hbm.at[pl.ds(base, idx_rows)], idx_v)
        copies = [
            pltpu.async_copy(cb_hbm.at[idx_v.at[j]],
                             rows_v.at[pl.ds(j * _IDX_MINOR, _IDX_MINOR)],
                             sem)
            for j in range(idx_rows)
        ]
        for cp in copies:
            cp.wait()
        pltpu.sync_copy(rows_v,
                        out_hbm.at[pl.ds(wid * rows_per_w, rows_per_w)])

    return pl.kernel(
        body,
        out_type=jax.ShapeDtypeStruct((N, C), jnp.float32),
        mesh=plsc.VectorSubcoreMesh(core_axis_name="c",
                                    subcore_axis_name="s"),
        compiler_params=pltpu.CompilerParams(use_tc_tiling_on_sc=False),
        scratch_types=[
            pltpu.VMEM((idx_rows, _IDX_MINOR), jnp.int32),
            pltpu.VMEM((rows_per_w, C), jnp.float32),
            pltpu.SemaphoreType.DMA,
        ],
    )


def kernel(z, codebook):
    z3 = z.reshape(B, C, HW)
    idx = _nearest_indices(z3, codebook)
    idx2 = idx.reshape(N // _IDX_MINOR, _IDX_MINOR)
    zq = _build_sc_gather()(codebook, idx2)
    return zq.reshape(z.shape)

# --- scband reference (transcript-rebuilt; emitter-appended) ---
"""Pipeline reference for scband-quantizer-20736102105457 (READ-ONLY COPY).

The authoritative reference and input builder live on the scoring server;
editing this copy changes nothing except your own understanding.
"""

import jax, jax.numpy as jnp
import numpy as np

NUM_EMBEDDINGS = 8192
EMBEDDING_DIM = 32

def setup_inputs(seed: int = 0) -> dict:
    key = jax.random.key(seed)
    k1, k2 = jax.random.split(key)
    z = jax.random.normal(k1, (8, 32, 64, 64), dtype=jnp.float32)
    # nn.Embedding default init: N(0, 1)
    codebook = jax.random.normal(k2, (NUM_EMBEDDINGS, EMBEDDING_DIM), dtype=jnp.float32)
    return {"z": z, "codebook": codebook}

def reference(z, codebook):
    # z: [B, C, H, W] with C == embedding_dim
    z_permuted = jnp.transpose(z, (0, 2, 3, 1))          # [B, H, W, C]
    z_flattened = z_permuted.reshape(-1, EMBEDDING_DIM)   # [N, C]
    d = (jnp.sum(z_flattened ** 2, axis=1, keepdims=True)
         + jnp.sum(codebook ** 2, axis=1)
         - 2.0 * jnp.matmul(z_flattened, codebook.T))     # [N, K]
    min_encoding_indices = jnp.argmin(d, axis=1)           # [N]
    # Faithful to the torch module: gather then view back to z.shape
    # (note: original code reshapes the BHWC-ordered flat result directly
    #  into BCHW layout, which we replicate exactly)
    z_q = jnp.take(codebook, min_encoding_indices, axis=0).reshape(z.shape)
    return z_q

if __name__ == "__main__":
    import jax
    _d = setup_inputs()
    print(jax.jit(kernel)(*tuple(_d.values())))

</pallas_src>

<mosaic_0001>
#map = affine_map<(d0, d1) -> (0, 0)>
module attributes {stable_mosaic.version = 14 : i64} {
  func.func @body(%arg0: i32, %arg1: i32, %arg2: memref<8192x32xf32, #tpu.memory_space<hbm>>, %arg3: memref<256x128xi32, #tpu.memory_space<hbm>>, %arg4: memref<32768x32xf32, #tpu.memory_space<hbm>>, %arg5: memref<8x128xi32, #tpu.memory_space<vmem>>, %arg6: memref<1024x32xf32, #tpu.memory_space<vmem>>, %arg7: memref<!tpu.dma_semaphore, #tpu.memory_space<semaphore_mem>>) attributes {dimension_semantics = [#tpu.dimension_semantics<core_parallel>, #tpu.dimension_semantics<subcore_parallel>], iteration_bounds = array<i64: 2, 16>, scalar_prefetch = 0 : i64, scratch_operands = 3 : i64, tpu.core_type = #tpu.core_type<sc_vector_subcore>, window_params = [{transform_indices = #map}, {transform_indices = #map}, {transform_indices = #map}]} {
    %mul3A = arith.constant 2 : i32
    %mul3A_0 = arith.muli %arg1, %mul3A : i32
    %add3A = arith.addi %mul3A_0, %arg0 : i32
    %mul3A_1 = arith.constant 8 : i32
    %mul3A_2 = arith.muli %add3A, %mul3A_1 : i32
    "tpu.region"() ({
      %run_scoped3A = tpu.sem_alloc : memref<!tpu.dma_semaphore, #tpu.memory_space<semaphore_mem>>
      %dma_start3A_163 = arith.constant 0 : i32
      %dma_start3A_164 = tpu.memref_slice %arg3[%mul3A_2, %dma_start3A_163] : memref<256x128xi32, #tpu.memory_space<hbm>> -> memref<8x128xi32, #tpu.memory_space<hbm>>
      %dma_start3A_165 = arith.constant 0 : i32
      %dma_start3A_166 = tpu.memref_slice %arg3[%mul3A_2, %dma_start3A_165] : memref<256x128xi32, #tpu.memory_space<hbm>> -> memref<8x128xi32, #tpu.memory_space<hbm>>
      tpu.enqueue_dma source(%dma_start3A_166 : memref<8x128xi32, #tpu.memory_space<hbm>>) target(%arg5 : memref<8x128xi32, #tpu.memory_space<vmem>>) target_semaphore(%run_scoped3A : memref<!tpu.dma_semaphore, #tpu.memory_space<semaphore_mem>>)
      %dma_wait3A_167 = arith.constant 0 : i32
      %dma_wait3A_168 = tpu.memref_slice %arg3[%mul3A_2, %dma_wait3A_167] : memref<256x128xi32, #tpu.memory_space<hbm>> -> memref<8x128xi32, #tpu.memory_space<hbm>>
      %dma_wait3A_169 = arith.constant 0 : i32
      %dma_wait3A_170 = tpu.memref_slice %arg3[%mul3A_2, %dma_wait3A_169] : memref<256x128xi32, #tpu.memory_space<hbm>> -> memref<8x128xi32, #tpu.memory_space<hbm>>
      tpu.wait_dma2 semaphore(%run_scoped3A : memref<!tpu.dma_semaphore, #tpu.memory_space<semaphore_mem>>) src(%dma_wait3A_170 : memref<8x128xi32, #tpu.memory_space<hbm>>) dst(%arg5 : memref<8x128xi32, #tpu.memory_space<vmem>>)
      tpu.yield
    }) : () -> ()
    %dma_start3A = arith.constant 0 : i32
    %dma_start3A_3 = arith.constant 0 : i32
    %dma_start3A_4 = arith.constant 0 : i32
    %dma_start3A_5 = tpu.memref_slice %arg6[%dma_start3A_3, %dma_start3A_4] : memref<1024x32xf32, #tpu.memory_space<vmem>> -> memref<128x32xf32, #tpu.memory_space<vmem>>
    %dma_start3A_6 = arith.constant 0 : i32
    %dma_start3A_7 = tpu.memref_slice %arg5[%dma_start3A, %dma_start3A_6] : memref<8x128xi32, #tpu.memory_space<vmem>> -> memref<1x128xi32, #tpu.memory_space<vmem>>
    %dma_start3A_8 = tpu.memref_squeeze %dma_start3A_7 : memref<1x128xi32, #tpu.memory_space<vmem>> -> memref<128xi32, #tpu.memory_space<vmem>>
    %dma_start3A_9 = arith.constant 0 : i32
    %dma_start3A_10 = arith.constant 0 : i32
    %dma_start3A_11 = tpu.memref_slice %arg2[%dma_start3A_9, %dma_start3A_10] : memref<8192x32xf32, #tpu.memory_space<hbm>> -> memref<8192x32xf32, #tpu.memory_space<hbm>>
    tpu.enqueue_indirect_dma source(%dma_start3A_11 : memref<8192x32xf32, #tpu.memory_space<hbm>>) target(%dma_start3A_5 : memref<128x32xf32, #tpu.memory_space<vmem>>) offsets(%dma_start3A_8 : memref<128xi32, #tpu.memory_space<vmem>>) semaphore(%arg7 : memref<!tpu.dma_semaphore, #tpu.memory_space<semaphore_mem>>)
    %dma_start3A_12 = arith.constant 1 : i32
    %dma_start3A_13 = arith.constant 128 : i32
    %dma_start3A_14 = arith.constant 0 : i32
    %dma_start3A_15 = tpu.memref_slice %arg6[%dma_start3A_13, %dma_start3A_14] : memref<1024x32xf32, #tpu.memory_space<vmem>> -> memref<128x32xf32, #tpu.memory_space<vmem>>
    %dma_start3A_16 = arith.constant 0 : i32
    %dma_start3A_17 = tpu.memref_slice %arg5[%dma_start3A_12, %dma_start3A_16] : memref<8x128xi32, #tpu.memory_space<vmem>> -> memref<1x128xi32, #tpu.memory_space<vmem>>
    %dma_start3A_18 = tpu.memref_squeeze %dma_start3A_17 : memref<1x128xi32, #tpu.memory_space<vmem>> -> memref<128xi32, #tpu.memory_space<vmem>>
    %dma_start3A_19 = arith.constant 0 : i32
    %dma_start3A_20 = arith.constant 0 : i32
    %dma_start3A_21 = tpu.memref_slice %arg2[%dma_start3A_19, %dma_start3A_20] : memref<8192x32xf32, #tpu.memory_space<hbm>> -> memref<8192x32xf32, #tpu.memory_space<hbm>>
    tpu.enqueue_indirect_dma source(%dma_start3A_21 : memref<8192x32xf32, #tpu.memory_space<hbm>>) target(%dma_start3A_15 : memref<128x32xf32, #tpu.memory_space<vmem>>) offsets(%dma_start3A_18 : memref<128xi32, #tpu.memory_space<vmem>>) semaphore(%arg7 : memref<!tpu.dma_semaphore, #tpu.memory_space<semaphore_mem>>)
    %dma_start3A_22 = arith.constant 2 : i32
    %dma_start3A_23 = arith.constant 256 : i32
    %dma_start3A_24 = arith.constant 0 : i32
    %dma_start3A_25 = tpu.memref_slice %arg6[%dma_start3A_23, %dma_start3A_24] : memref<1024x32xf32, #tpu.memory_space<vmem>> -> memref<128x32xf32, #tpu.memory_space<vmem>>
    %dma_start3A_26 = arith.constant 0 : i32
    %dma_start3A_27 = tpu.memref_slice %arg5[%dma_start3A_22, %dma_start3A_26] : memref<8x128xi32, #tpu.memory_space<vmem>> -> memref<1x128xi32, #tpu.memory_space<vmem>>
    %dma_start3A_28 = tpu.memref_squeeze %dma_start3A_27 : memref<1x128xi32, #tpu.memory_space<vmem>> -> memref<128xi32, #tpu.memory_space<vmem>>
    %dma_start3A_29 = arith.constant 0 : i32
    %dma_start3A_30 = arith.constant 0 : i32
    %dma_start3A_31 = tpu.memref_slice %arg2[%dma_start3A_29, %dma_start3A_30] : memref<8192x32xf32, #tpu.memory_space<hbm>> -> memref<8192x32xf32, #tpu.memory_space<hbm>>
    tpu.enqueue_indirect_dma source(%dma_start3A_31 : memref<8192x32xf32, #tpu.memory_space<hbm>>) target(%dma_start3A_25 : memref<128x32xf32, #tpu.memory_space<vmem>>) offsets(%dma_start3A_28 : memref<128xi32, #tpu.memory_space<vmem>>) semaphore(%arg7 : memref<!tpu.dma_semaphore, #tpu.memory_space<semaphore_mem>>)
    %dma_start3A_32 = arith.constant 3 : i32
    %dma_start3A_33 = arith.constant 384 : i32
    %dma_start3A_34 = arith.constant 0 : i32
    %dma_start3A_35 = tpu.memref_slice %arg6[%dma_start3A_33, %dma_start3A_34] : memref<1024x32xf32, #tpu.memory_space<vmem>> -> memref<128x32xf32, #tpu.memory_space<vmem>>
    %dma_start3A_36 = arith.constant 0 : i32
    %dma_start3A_37 = tpu.memref_slice %arg5[%dma_start3A_32, %dma_start3A_36] : memref<8x128xi32, #tpu.memory_space<vmem>> -> memref<1x128xi32, #tpu.memory_space<vmem>>
    %dma_start3A_38 = tpu.memref_squeeze %dma_start3A_37 : memref<1x128xi32, #tpu.memory_space<vmem>> -> memref<128xi32, #tpu.memory_space<vmem>>
    %dma_start3A_39 = arith.constant 0 : i32
    %dma_start3A_40 = arith.constant 0 : i32
    %dma_start3A_41 = tpu.memref_slice %arg2[%dma_start3A_39, %dma_start3A_40] : memref<8192x32xf32, #tpu.memory_space<hbm>> -> memref<8192x32xf32, #tpu.memory_space<hbm>>
    tpu.enqueue_indirect_dma source(%dma_start3A_41 : memref<8192x32xf32, #tpu.memory_space<hbm>>) target(%dma_start3A_35 : memref<128x32xf32, #tpu.memory_space<vmem>>) offsets(%dma_start3A_38 : memref<128xi32, #tpu.memory_space<vmem>>) semaphore(%arg7 : memref<!tpu.dma_semaphore, #tpu.memory_space<semaphore_mem>>)
    %dma_start3A_42 = arith.constant 4 : i32
    %dma_start3A_43 = arith.constant 512 : i32
    %dma_start3A_44 = arith.constant 0 : i32
    %dma_start3A_45 = tpu.memref_slice %arg6[%dma_start3A_43, %dma_start3A_44] : memref<1024x32xf32, #tpu.memory_space<vmem>> -> memref<128x32xf32, #tpu.memory_space<vmem>>
    %dma_start3A_46 = arith.constant 0 : i32
    %dma_start3A_47 = tpu.memref_slice %arg5[%dma_start3A_42, %dma_start3A_46] : memref<8x128xi32, #tpu.memory_space<vmem>> -> memref<1x128xi32, #tpu.memory_space<vmem>>
    %dma_start3A_48 = tpu.memref_squeeze %dma_start3A_47 : memref<1x128xi32, #tpu.memory_space<vmem>> -> memref<128xi32, #tpu.memory_space<vmem>>
    %dma_start3A_49 = arith.constant 0 : i32
    %dma_start3A_50 = arith.constant 0 : i32
    %dma_start3A_51 = tpu.memref_slice %arg2[%dma_start3A_49, %dma_start3A_50] : memref<8192x32xf32, #tpu.memory_space<hbm>> -> memref<8192x32xf32, #tpu.memory_space<hbm>>
    tpu.enqueue_indirect_dma source(%dma_start3A_51 : memref<8192x32xf32, #tpu.memory_space<hbm>>) target(%dma_start3A_45 : memref<128x32xf32, #tpu.memory_space<vmem>>) offsets(%dma_start3A_48 : memref<128xi32, #tpu.memory_space<vmem>>) semaphore(%arg7 : memref<!tpu.dma_semaphore, #tpu.memory_space<semaphore_mem>>)
    %dma_start3A_52 = arith.constant 5 : i32
    %dma_start3A_53 = arith.constant 640 : i32
    %dma_start3A_54 = arith.constant 0 : i32
    %dma_start3A_55 = tpu.memref_slice %arg6[%dma_start3A_53, %dma_start3A_54] : memref<1024x32xf32, #tpu.memory_space<vmem>> -> memref<128x32xf32, #tpu.memory_space<vmem>>
    %dma_start3A_56 = arith.constant 0 : i32
    %dma_start3A_57 = tpu.memref_slice %arg5[%dma_start3A_52, %dma_start3A_56] : memref<8x128xi32, #tpu.memory_space<vmem>> -> memref<1x128xi32, #tpu.memory_space<vmem>>
    %dma_start3A_58 = tpu.memref_squeeze %dma_start3A_57 : memref<1x128xi32, #tpu.memory_space<vmem>> -> memref<128xi32, #tpu.memory_space<vmem>>
    %dma_start3A_59 = arith.constant 0 : i32
    %dma_start3A_60 = arith.constant 0 : i32
    %dma_start3A_61 = tpu.memref_slice %arg2[%dma_start3A_59, %dma_start3A_60] : memref<8192x32xf32, #tpu.memory_space<hbm>> -> memref<8192x32xf32, #tpu.memory_space<hbm>>
    tpu.enqueue_indirect_dma source(%dma_start3A_61 : memref<8192x32xf32, #tpu.memory_space<hbm>>) target(%dma_start3A_55 : memref<128x32xf32, #tpu.memory_space<vmem>>) offsets(%dma_start3A_58 : memref<128xi32, #tpu.memory_space<vmem>>) semaphore(%arg7 : memref<!tpu.dma_semaphore, #tpu.memory_space<semaphore_mem>>)
    %dma_start3A_62 = arith.constant 6 : i32
    %dma_start3A_63 = arith.constant 768 : i32
    %dma_start3A_64 = arith.constant 0 : i32
    %dma_start3A_65 = tpu.memref_slice %arg6[%dma_start3A_63, %dma_start3A_64] : memref<1024x32xf32, #tpu.memory_space<vmem>> -> memref<128x32xf32, #tpu.memory_space<vmem>>
    %dma_start3A_66 = arith.constant 0 : i32
    %dma_start3A_67 = tpu.memref_slice %arg5[%dma_start3A_62, %dma_start3A_66] : memref<8x128xi32, #tpu.memory_space<vmem>> -> memref<1x128xi32, #tpu.memory_space<vmem>>
    %dma_start3A_68 = tpu.memref_squeeze %dma_start3A_67 : memref<1x128xi32, #tpu.memory_space<vmem>> -> memref<128xi32, #tpu.memory_space<vmem>>
    %dma_start3A_69 = arith.constant 0 : i32
    %dma_start3A_70 = arith.constant 0 : i32
    %dma_start3A_71 = tpu.memref_slice %arg2[%dma_start3A_69, %dma_start3A_70] : memref<8192x32xf32, #tpu.memory_space<hbm>> -> memref<8192x32xf32, #tpu.memory_space<hbm>>
    tpu.enqueue_indirect_dma source(%dma_start3A_71 : memref<8192x32xf32, #tpu.memory_space<hbm>>) target(%dma_start3A_65 : memref<128x32xf32, #tpu.memory_space<vmem>>) offsets(%dma_start3A_68 : memref<128xi32, #tpu.memory_space<vmem>>) semaphore(%arg7 : memref<!tpu.dma_semaphore, #tpu.memory_space<semaphore_mem>>)
    %dma_start3A_72 = arith.constant 7 : i32
    %dma_start3A_73 = arith.constant 896 : i32
    %dma_start3A_74 = arith.constant 0 : i32
    %dma_start3A_75 = tpu.memref_slice %arg6[%dma_start3A_73, %dma_start3A_74] : memref<1024x32xf32, #tpu.memory_space<vmem>> -> memref<128x32xf32, #tpu.memory_space<vmem>>
    %dma_start3A_76 = arith.constant 0 : i32
    %dma_start3A_77 = tpu.memref_slice %arg5[%dma_start3A_72, %dma_start3A_76] : memref<8x128xi32, #tpu.memory_space<vmem>> -> memref<1x128xi32, #tpu.memory_space<vmem>>
    %dma_start3A_78 = tpu.memref_squeeze %dma_start3A_77 : memref<1x128xi32, #tpu.memory_space<vmem>> -> memref<128xi32, #tpu.memory_space<vmem>>
    %dma_start3A_79 = arith.constant 0 : i32
    %dma_start3A_80 = arith.constant 0 : i32
    %dma_start3A_81 = tpu.memref_slice %arg2[%dma_start3A_79, %dma_start3A_80] : memref<8192x32xf32, #tpu.memory_space<hbm>> -> memref<8192x32xf32, #tpu.memory_space<hbm>>
    tpu.enqueue_indirect_dma source(%dma_start3A_81 : memref<8192x32xf32, #tpu.memory_space<hbm>>) target(%dma_start3A_75 : memref<128x32xf32, #tpu.memory_space<vmem>>) offsets(%dma_start3A_78 : memref<128xi32, #tpu.memory_space<vmem>>) semaphore(%arg7 : memref<!tpu.dma_semaphore, #tpu.memory_space<semaphore_mem>>)
    %dma_wait3A = arith.constant 0 : i32
    %dma_wait3A_82 = arith.constant 0 : i32
    %dma_wait3A_83 = arith.constant 0 : i32
    %dma_wait3A_84 = tpu.memref_slice %arg6[%dma_wait3A_82, %dma_wait3A_83] : memref<1024x32xf32, #tpu.memory_space<vmem>> -> memref<128x32xf32, #tpu.memory_space<vmem>>
    %dma_wait3A_85 = arith.constant 0 : i32
    %dma_wait3A_86 = tpu.memref_slice %arg5[%dma_wait3A, %dma_wait3A_85] : memref<8x128xi32, #tpu.memory_space<vmem>> -> memref<1x128xi32, #tpu.memory_space<vmem>>
    %dma_wait3A_87 = tpu.memref_squeeze %dma_wait3A_86 : memref<1x128xi32, #tpu.memory_space<vmem>> -> memref<128xi32, #tpu.memory_space<vmem>>
    %dma_wait3A_88 = arith.constant 0 : i32
    %dma_wait3A_89 = arith.constant 0 : i32
    %dma_wait3A_90 = tpu.memref_slice %arg2[%dma_wait3A_88, %dma_wait3A_89] : memref<8192x32xf32, #tpu.memory_space<hbm>> -> memref<8192x32xf32, #tpu.memory_space<hbm>>
    tpu.wait_indirect_dma semaphore(%arg7 : memref<!tpu.dma_semaphore, #tpu.memory_space<semaphore_mem>>) src(%dma_wait3A_90 : memref<8192x32xf32, #tpu.memory_space<hbm>>) dst(%dma_wait3A_84 : memref<128x32xf32, #tpu.memory_space<vmem>>)
    %dma_wait3A_91 = arith.constant 1 : i32
    %dma_wait3A_92 = arith.constant 128 : i32
    %dma_wait3A_93 = arith.constant 0 : i32
    %dma_wait3A_94 = tpu.memref_slice %arg6[%dma_wait3A_92, %dma_wait3A_93] : memref<1024x32xf32, #tpu.memory_space<vmem>> -> memref<128x32xf32, #tpu.memory_space<vmem>>
    %dma_wait3A_95 = arith.constant 0 : i32
    %dma_wait3A_96 = tpu.memref_slice %arg5[%dma_wait3A_91, %dma_wait3A_95] : memref<8x128xi32, #tpu.memory_space<vmem>> -> memref<1x128xi32, #tpu.memory_space<vmem>>
    %dma_wait3A_97 = tpu.memref_squeeze %dma_wait3A_96 : memref<1x128xi32, #tpu.memory_space<vmem>> -> memref<128xi32, #tpu.memory_space<vmem>>
    %dma_wait3A_98 = arith.constant 0 : i32
    %dma_wait3A_99 = arith.constant 0 : i32
    %dma_wait3A_100 = tpu.memref_slice %arg2[%dma_wait3A_98, %dma_wait3A_99] : memref<8192x32xf32, #tpu.memory_space<hbm>> -> memref<8192x32xf32, #tpu.memory_space<hbm>>
    tpu.wait_indirect_dma semaphore(%arg7 : memref<!tpu.dma_semaphore, #tpu.memory_space<semaphore_mem>>) src(%dma_wait3A_100 : memref<8192x32xf32, #tpu.memory_space<hbm>>) dst(%dma_wait3A_94 : memref<128x32xf32, #tpu.memory_space<vmem>>)
    %dma_wait3A_101 = arith.constant 2 : i32
    %dma_wait3A_102 = arith.constant 256 : i32
    %dma_wait3A_103 = arith.constant 0 : i32
    %dma_wait3A_104 = tpu.memref_slice %arg6[%dma_wait3A_102, %dma_wait3A_103] : memref<1024x32xf32, #tpu.memory_space<vmem>> -> memref<128x32xf32, #tpu.memory_space<vmem>>
    %dma_wait3A_105 = arith.constant 0 : i32
    %dma_wait3A_106 = tpu.memref_slice %arg5[%dma_wait3A_101, %dma_wait3A_105] : memref<8x128xi32, #tpu.memory_space<vmem>> -> memref<1x128xi32, #tpu.memory_space<vmem>>
    %dma_wait3A_107 = tpu.memref_squeeze %dma_wait3A_106 : memref<1x128xi32, #tpu.memory_space<vmem>> -> memref<128xi32, #tpu.memory_space<vmem>>
    %dma_wait3A_108 = arith.constant 0 : i32
    %dma_wait3A_109 = arith.constant 0 : i32
    %dma_wait3A_110 = tpu.memref_slice %arg2[%dma_wait3A_108, %dma_wait3A_109] : memref<8192x32xf32, #tpu.memory_space<hbm>> -> memref<8192x32xf32, #tpu.memory_space<hbm>>
    tpu.wait_indirect_dma semaphore(%arg7 : memref<!tpu.dma_semaphore, #tpu.memory_space<semaphore_mem>>) src(%dma_wait3A_110 : memref<8192x32xf32, #tpu.memory_space<hbm>>) dst(%dma_wait3A_104 : memref<128x32xf32, #tpu.memory_space<vmem>>)
    %dma_wait3A_111 = arith.constant 3 : i32
    %dma_wait3A_112 = arith.constant 384 : i32
    %dma_wait3A_113 = arith.constant 0 : i32
    %dma_wait3A_114 = tpu.memref_slice %arg6[%dma_wait3A_112, %dma_wait3A_113] : memref<1024x32xf32, #tpu.memory_space<vmem>> -> memref<128x32xf32, #tpu.memory_space<vmem>>
    %dma_wait3A_115 = arith.constant 0 : i32
    %dma_wait3A_116 = tpu.memref_slice %arg5[%dma_wait3A_111, %dma_wait3A_115] : memref<8x128xi32, #tpu.memory_space<vmem>> -> memref<1x128xi32, #tpu.memory_space<vmem>>
    %dma_wait3A_117 = tpu.memref_squeeze %dma_wait3A_116 : memref<1x128xi32, #tpu.memory_space<vmem>> -> memref<128xi32, #tpu.memory_space<vmem>>
    %dma_wait3A_118 = arith.constant 0 : i32
    %dma_wait3A_119 = arith.constant 0 : i32
    %dma_wait3A_120 = tpu.memref_slice %arg2[%dma_wait3A_118, %dma_wait3A_119] : memref<8192x32xf32, #tpu.memory_space<hbm>> -> memref<8192x32xf32, #tpu.memory_space<hbm>>
    tpu.wait_indirect_dma semaphore(%arg7 : memref<!tpu.dma_semaphore, #tpu.memory_space<semaphore_mem>>) src(%dma_wait3A_120 : memref<8192x32xf32, #tpu.memory_space<hbm>>) dst(%dma_wait3A_114 : memref<128x32xf32, #tpu.memory_space<vmem>>)
    %dma_wait3A_121 = arith.constant 4 : i32
    %dma_wait3A_122 = arith.constant 512 : i32
    %dma_wait3A_123 = arith.constant 0 : i32
    %dma_wait3A_124 = tpu.memref_slice %arg6[%dma_wait3A_122, %dma_wait3A_123] : memref<1024x32xf32, #tpu.memory_space<vmem>> -> memref<128x32xf32, #tpu.memory_space<vmem>>
    %dma_wait3A_125 = arith.constant 0 : i32
    %dma_wait3A_126 = tpu.memref_slice %arg5[%dma_wait3A_121, %dma_wait3A_125] : memref<8x128xi32, #tpu.memory_space<vmem>> -> memref<1x128xi32, #tpu.memory_space<vmem>>
    %dma_wait3A_127 = tpu.memref_squeeze %dma_wait3A_126 : memref<1x128xi32, #tpu.memory_space<vmem>> -> memref<128xi32, #tpu.memory_space<vmem>>
    %dma_wait3A_128 = arith.constant 0 : i32
    %dma_wait3A_129 = arith.constant 0 : i32
    %dma_wait3A_130 = tpu.memref_slice %arg2[%dma_wait3A_128, %dma_wait3A_129] : memref<8192x32xf32, #tpu.memory_space<hbm>> -> memref<8192x32xf32, #tpu.memory_space<hbm>>
    tpu.wait_indirect_dma semaphore(%arg7 : memref<!tpu.dma_semaphore, #tpu.memory_space<semaphore_mem>>) src(%dma_wait3A_130 : memref<8192x32xf32, #tpu.memory_space<hbm>>) dst(%dma_wait3A_124 : memref<128x32xf32, #tpu.memory_space<vmem>>)
    %dma_wait3A_131 = arith.constant 5 : i32
    %dma_wait3A_132 = arith.constant 640 : i32
    %dma_wait3A_133 = arith.constant 0 : i32
    %dma_wait3A_134 = tpu.memref_slice %arg6[%dma_wait3A_132, %dma_wait3A_133] : memref<1024x32xf32, #tpu.memory_space<vmem>> -> memref<128x32xf32, #tpu.memory_space<vmem>>
    %dma_wait3A_135 = arith.constant 0 : i32
    %dma_wait3A_136 = tpu.memref_slice %arg5[%dma_wait3A_131, %dma_wait3A_135] : memref<8x128xi32, #tpu.memory_space<vmem>> -> memref<1x128xi32, #tpu.memory_space<vmem>>
    %dma_wait3A_137 = tpu.memref_squeeze %dma_wait3A_136 : memref<1x128xi32, #tpu.memory_space<vmem>> -> memref<128xi32, #tpu.memory_space<vmem>>
    %dma_wait3A_138 = arith.constant 0 : i32
    %dma_wait3A_139 = arith.constant 0 : i32
    %dma_wait3A_140 = tpu.memref_slice %arg2[%dma_wait3A_138, %dma_wait3A_139] : memref<8192x32xf32, #tpu.memory_space<hbm>> -> memref<8192x32xf32, #tpu.memory_space<hbm>>
    tpu.wait_indirect_dma semaphore(%arg7 : memref<!tpu.dma_semaphore, #tpu.memory_space<semaphore_mem>>) src(%dma_wait3A_140 : memref<8192x32xf32, #tpu.memory_space<hbm>>) dst(%dma_wait3A_134 : memref<128x32xf32, #tpu.memory_space<vmem>>)
    %dma_wait3A_141 = arith.constant 6 : i32
    %dma_wait3A_142 = arith.constant 768 : i32
    %dma_wait3A_143 = arith.constant 0 : i32
    %dma_wait3A_144 = tpu.memref_slice %arg6[%dma_wait3A_142, %dma_wait3A_143] : memref<1024x32xf32, #tpu.memory_space<vmem>> -> memref<128x32xf32, #tpu.memory_space<vmem>>
    %dma_wait3A_145 = arith.constant 0 : i32
    %dma_wait3A_146 = tpu.memref_slice %arg5[%dma_wait3A_141, %dma_wait3A_145] : memref<8x128xi32, #tpu.memory_space<vmem>> -> memref<1x128xi32, #tpu.memory_space<vmem>>
    %dma_wait3A_147 = tpu.memref_squeeze %dma_wait3A_146 : memref<1x128xi32, #tpu.memory_space<vmem>> -> memref<128xi32, #tpu.memory_space<vmem>>
    %dma_wait3A_148 = arith.constant 0 : i32
    %dma_wait3A_149 = arith.constant 0 : i32
    %dma_wait3A_150 = tpu.memref_slice %arg2[%dma_wait3A_148, %dma_wait3A_149] : memref<8192x32xf32, #tpu.memory_space<hbm>> -> memref<8192x32xf32, #tpu.memory_space<hbm>>
    tpu.wait_indirect_dma semaphore(%arg7 : memref<!tpu.dma_semaphore, #tpu.memory_space<semaphore_mem>>) src(%dma_wait3A_150 : memref<8192x32xf32, #tpu.memory_space<hbm>>) dst(%dma_wait3A_144 : memref<128x32xf32, #tpu.memory_space<vmem>>)
    %dma_wait3A_151 = arith.constant 7 : i32
    %dma_wait3A_152 = arith.constant 896 : i32
    %dma_wait3A_153 = arith.constant 0 : i32
    %dma_wait3A_154 = tpu.memref_slice %arg6[%dma_wait3A_152, %dma_wait3A_153] : memref<1024x32xf32, #tpu.memory_space<vmem>> -> memref<128x32xf32, #tpu.memory_space<vmem>>
    %dma_wait3A_155 = arith.constant 0 : i32
    %dma_wait3A_156 = tpu.memref_slice %arg5[%dma_wait3A_151, %dma_wait3A_155] : memref<8x128xi32, #tpu.memory_space<vmem>> -> memref<1x128xi32, #tpu.memory_space<vmem>>
    %dma_wait3A_157 = tpu.memref_squeeze %dma_wait3A_156 : memref<1x128xi32, #tpu.memory_space<vmem>> -> memref<128xi32, #tpu.memory_space<vmem>>
    %dma_wait3A_158 = arith.constant 0 : i32
    %dma_wait3A_159 = arith.constant 0 : i32
    %dma_wait3A_160 = tpu.memref_slice %arg2[%dma_wait3A_158, %dma_wait3A_159] : memref<8192x32xf32, #tpu.memory_space<hbm>> -> memref<8192x32xf32, #tpu.memory_space<hbm>>
    tpu.wait_indirect_dma semaphore(%arg7 : memref<!tpu.dma_semaphore, #tpu.memory_space<semaphore_mem>>) src(%dma_wait3A_160 : memref<8192x32xf32, #tpu.memory_space<hbm>>) dst(%dma_wait3A_154 : memref<128x32xf32, #tpu.memory_space<vmem>>)
    %mul3A_161 = arith.constant 1024 : i32
    %mul3A_162 = arith.muli %add3A, %mul3A_161 : i32
    "tpu.region"() ({
      %run_scoped3A = tpu.sem_alloc : memref<!tpu.dma_semaphore, #tpu.memory_space<semaphore_mem>>
      %dma_start3A_163 = arith.constant 0 : i32
      %dma_start3A_164 = tpu.memref_slice %arg4[%mul3A_162, %dma_start3A_163] : memref<32768x32xf32, #tpu.memory_space<hbm>> -> memref<1024x32xf32, #tpu.memory_space<hbm>>
      %dma_start3A_165 = arith.constant 0 : i32
      %dma_start3A_166 = tpu.memref_slice %arg4[%mul3A_162, %dma_start3A_165] : memref<32768x32xf32, #tpu.memory_space<hbm>> -> memref<1024x32xf32, #tpu.memory_space<hbm>>
      tpu.enqueue_dma source(%arg6 : memref<1024x32xf32, #tpu.memory_space<vmem>>) target(%dma_start3A_166 : memref<1024x32xf32, #tpu.memory_space<hbm>>) target_semaphore(%run_scoped3A : memref<!tpu.dma_semaphore, #tpu.memory_space<semaphore_mem>>)
      %dma_wait3A_167 = arith.constant 0 : i32
      %dma_wait3A_168 = tpu.memref_slice %arg4[%mul3A_162, %dma_wait3A_167] : memref<32768x32xf32, #tpu.memory_space<hbm>> -> memref<1024x32xf32, #tpu.memory_space<hbm>>
      %dma_wait3A_169 = arith.constant 0 : i32
      %dma_wait3A_170 = tpu.memref_slice %arg4[%mul3A_162, %dma_wait3A_169] : memref<32768x32xf32, #tpu.memory_space<hbm>> -> memref<1024x32xf32, #tpu.memory_space<hbm>>
      tpu.wait_dma2 semaphore(%run_scoped3A : memref<!tpu.dma_semaphore, #tpu.memory_space<semaphore_mem>>) src(%arg6 : memref<1024x32xf32, #tpu.memory_space<vmem>>) dst(%dma_wait3A_170 : memref<1024x32xf32, #tpu.memory_space<hbm>>)
      tpu.yield
    }) : () -> ()
    return
  }
}

module attributes {stable_mosaic.version = 14 : i64} {
  func.func @_argmin_body(%arg0: i32, %arg1: memref<1x32x4096xf32, #tpu.memory_space<vmem>>, %arg2: memref<8192x32xf32, #tpu.memory_space<vmem>>, %arg3: memref<1x1x4096xi32, #tpu.memory_space<vmem>>) attributes {dimension_semantics = [#tpu.dimension_semantics<arbitrary>], iteration_bounds = array<i64: 8>, scalar_prefetch = 0 : i64, scratch_operands = 0 : i64, tpu.core_type = #tpu.core_type<tc>, window_params = [{transform_indices = @transform_0, window_bounds = array<i64: 1, 32, 4096>}, {pipeline_mode = #tpu.pipeline_mode<synchronous>, transform_indices = @transform_1, window_bounds = array<i64: 8192, 32>}, {transform_indices = @transform_2, window_bounds = array<i64: 1, 1, 4096>}]} {
    %get3A = arith.constant 0 : index
    %get3A_0 = arith.constant 0 : index
    %get3A_1 = arith.constant 0 : index
    %get3A_2 = vector.load %arg1[%get3A, %get3A_0, %get3A_1] : memref<1x32x4096xf32, #tpu.memory_space<vmem>>, vector<1x32x4096xf32>
    %get3A_3 = vector.shape_cast %get3A_2 : vector<1x32x4096xf32> to vector<32x4096xf32>
    %broadcast_in_dim3A = arith.constant 0x7F800000 : f32
    %broadcast_in_dim3A_4 = vector.broadcast %broadcast_in_dim3A : f32 to vector<1x4096xf32>
    %broadcast_in_dim3A_5 = arith.constant 0 : i32
    %broadcast_in_dim3A_6 = vector.broadcast %broadcast_in_dim3A_5 : i32 to vector<1x4096xi32>
    %scan3A = arith.constant 0 : i32
    %scan3A_7 = arith.constant 16 : i32
    %scan3A_8 = arith.addi %scan3A, %scan3A_7 : i32
    %scan3A_9 = arith.constant 1 : i32
    %scan3A_10:2 = scf.for %scan3A_17 = %scan3A to %scan3A_8 step %scan3A_9 iter_args(%scan3A_18 = %broadcast_in_dim3A_4, %scan3A_19 = %broadcast_in_dim3A_6) -> (vector<1x4096xf32>, vector<1x4096xi32>)  : i32 {
      %mul3A = arith.constant 512 : i32
      %mul3A_20 = arith.muli %scan3A_17, %mul3A : i32
      %get3A_21 = arith.index_cast %mul3A_20 : i32 to index
      %get3A_22 = arith.constant 0 : index
      %get3A_23 = vector.load %arg2[%get3A_21, %get3A_22] : memref<8192x32xf32, #tpu.memory_space<vmem>>, vector<512x32xf32>
      %mul3A_24 = arith.mulf %get3A_23, %get3A_23 : vector<512x32xf32>
      %reduce_sum3A = arith.constant dense<0.000000e+00> : vector<512xf32>
      %reduce_sum3A_25 = vector.multi_reduction <add>, %mul3A_24, %reduce_sum3A [1] : vector<512x32xf32> to vector<512xf32>
      %broadcast_in_dim3A_26 = vector.shape_cast %reduce_sum3A_25 : vector<512xf32> to vector<512x1xf32>
      %dot_general3A = arith.constant dense<0.000000e+00> : vector<512x4096xf32>
      %dot_general3A_27 = tpu.matmul %get3A_23, %get3A_3, %dot_general3A {dimension_numbers = #tpu.dot_dimension_numbers<[1], [0], [0], [1], [0, 0, 1, 1], [], []>, transpose_lhs_hint = false} : vector<512x32xf32>, vector<32x4096xf32>, vector<512x4096xf32> -> vector<512x4096xf32>
      %mul3A_28 = arith.constant 2.000000e+00 : f32
      %mul3A_29 = vector.broadcast %mul3A_28 : f32 to vector<512x4096xf32>
      %mul3A_30 = arith.mulf %mul3A_29, %dot_general3A_27 : vector<512x4096xf32>
      %sub3A = vector.broadcast %broadcast_in_dim3A_26 : vector<512x1xf32> to vector<512x4096xf32>
      %sub3A_31 = arith.subf %sub3A, %mul3A_30 : vector<512x4096xf32>
      %reduce_min3A = arith.constant dense<0x7F800000> : vector<4096xf32>
      %reduce_min3A_32 = vector.multi_reduction <minimumf>, %sub3A_31, %reduce_min3A [0] : vector<512x4096xf32> to vector<4096xf32>
      %broadcast_in_dim3A_33 = vector.shape_cast %reduce_min3A_32 : vector<4096xf32> to vector<1x4096xf32>
      %iota3A = tpu.iota {dimensions = array<i32: 0>} : vector<512x4096xi32>
      %mul3A_34 = arith.constant 512 : i32
      %mul3A_35 = arith.muli %scan3A_17, %mul3A_34 : i32
      %add3A = vector.broadcast %mul3A_35 : i32 to vector<512x4096xi32>
      %add3A_36 = arith.addi %iota3A, %add3A : vector<512x4096xi32>
      %eq3A = vector.broadcast %broadcast_in_dim3A_33 : vector<1x4096xf32> to vector<512x4096xf32>
      %eq3A_37 = arith.cmpf oeq, %sub3A_31, %eq3A : vector<512x4096xf32>
      %jit3A = arith.constant 8192 : i32
      %broadcast_in_dim3A_38 = vector.broadcast %jit3A : i32 to vector<512x4096xi32>
      %select_n3A = arith.select %eq3A_37, %add3A_36, %broadcast_in_dim3A_38 : vector<512x4096xi1>, vector<512x4096xi32>
      %reduce_min3A_39 = arith.constant dense<2147483647> : vector<4096xi32>
      %reduce_min3A_40 = vector.multi_reduction <minsi>, %select_n3A, %reduce_min3A_39 [0] : vector<512x4096xi32> to vector<4096xi32>
      %broadcast_in_dim3A_41 = vector.shape_cast %reduce_min3A_40 : vector<4096xi32> to vector<1x4096xi32>
      %lt3A = arith.cmpf olt, %broadcast_in_dim3A_33, %scan3A_18 : vector<1x4096xf32>
      %select_n3A_42 = arith.select %lt3A, %broadcast_in_dim3A_33, %scan3A_18 : vector<1x4096xi1>, vector<1x4096xf32>
      %select_n3A_43 = arith.select %lt3A, %broadcast_in_dim3A_41, %scan3A_19 : vector<1x4096xi1>, vector<1x4096xi32>
      scf.yield %select_n3A_42, %select_n3A_43 : vector<1x4096xf32>, vector<1x4096xi32>
    }
    %scan3A_11 = arith.constant 16 : i32
    %swap3A = arith.constant 0 : index
    %swap3A_12 = arith.constant 0 : index
    %swap3A_13 = arith.constant 0 : index
    %swap3A_14 = vector.load %arg3[%swap3A, %swap3A_12, %swap3A_13] : memref<1x1x4096xi32, #tpu.memory_space<vmem>>, vector<1x1x4096xi32>
    %swap3A_15 = vector.shape_cast %swap3A_14 : vector<1x1x4096xi32> to vector<1x4096xi32>
    %swap3A_16 = vector.shape_cast %scan3A_10#1 : vector<1x4096xi32> to vector<1x1x4096xi32>
    tpu.vector_store %arg3[%swap3A, %swap3A_12, %swap3A_13], %swap3A_16 {strides = array<i32>} : memref<1x1x4096xi32, #tpu.memory_space<vmem>>, vector<1x1x4096xi32>,
    return
  }
  func.func @transform_0(%arg0: i32) -> (i32, i32, i32) {
    %c0_i32 = arith.constant 0 : i32
    %c0_i32_0 = arith.constant 0 : i32
    %c0_i32_1 = arith.constant 0 : i32
    return %arg0, %c0_i32, %c0_i32_0 : i32, i32, i32
  }
  func.func @transform_1(%arg0: i32) -> (i32, i32) {
    %c0_i32 = arith.constant 0 : i32
    %c0_i32_0 = arith.constant 0 : i32
    %c0_i32_1 = arith.constant 0 : i32
    return %c0_i32, %c0_i32_0 : i32, i32
  }
  func.func @transform_2(%arg0: i32) -> (i32, i32, i32) {
    %c0_i32 = arith.constant 0 : i32
    %c0_i32_0 = arith.constant 0 : i32
    %c0_i32_1 = arith.constant 0 : i32
    return %arg0, %c0_i32, %c0_i32_0 : i32, i32, i32
  }
}

</mosaic_0001>

<sc_bundles>
// kernel: kernel.4.cloned.1.call-start
scs
__scs_entry_jumppad:
0x0: {  	(pc) =	sbr.rel $0x88, $3  }
0x1: {  	(tag) =	ssettag $0x0;
	lr =	simm.s32 $0x1  }
0x2: {  	[smem:$0x3F9F] =	sst lr;
	_ =	strace $0xD0000000  }
0x3: {  	_ = 	snop  }
0x4: {  	_ = 	snop  }
0x5: {  	_ = 	snop  }
0x6: {  	_ = 	snop  }
0x7: {  	_ = 	snop  }
__scs_overlays_trampoline_lowered:
0x8: {  	[smem:$0x3FAE] =	sst s0  }
0x9: {  	[smem:$0x3FAF] =	sst s1  }
0xa: {  	[smem:$0x3FB0] =	sst s2  }
0xb: {  	[smem:$0x3FB1] =	sst s3  }
0xc: {  	[smem:$0x3FB2] =	sst s4  }
0xd: {  	[smem:$0x3FB3] =	sst s5  }
0xe: {  	[smem:$0x3FB4] =	sst s6  }
0xf: {  	[smem:$0x3FB5] =	sst s7  }
0x10: {  	[smem:$0x3FB6] =	sst s8  }
0x11: {  	[smem:$0x3FB7] =	sst s9;
	s0 =	simm.s32 @!p0 $0x0  }
0x12: {  	s1 =	sld [smem:$0x3F9D];
	s0 =	simm.s32 @p0 $0x1  }
0x13: {  	[smem:$0x3FB8] =	sst s0;
	s0 =	simm.s32 @!p1 $0x0  }
0x14: {  	s2 =	sld [smem:$0x3F9C];
	s0 =	simm.s32 @p1 $0x1  }
0x15: {  	[smem:$0x3FB9] =	sst s0;
	s0 =	simm.s32 @!p2 $0x0  }
0x16: {  	s3 =	sld [smem:$0x3FDB];
	s0 =	simm.s32 @p2 $0x1  }
0x17: {  	s4 =	simm.s32 $0x1BF5;
	[smem:$0x3FBB] =	sst s0  }
0x18: {  	s0 =	sld [smem:$0x3F9E];
	_ =	swait.ge [sflag:s4], $0x0  }
0x19: {  	s7 =	sld [smem:$0x3F9F]  }
0x1a: {  	s8 =	sadd.s32 $0xFFFFE003, lr  }
0x1b: {  	s9 =	sadd.s32 $0xFFFFFEF7, lr;
	s5 =	simm.s32 $0xFFFFFFFF;
	p2 =	slt.u32 s8, $0xFFFFF086  }
0x1c: {  	p1 =	slt.u32 s9, $0xF7A;
	s5 =	simm.s32 @!p2 $0x0  }
0x1d: {  	s5 =	simm.s32 @p1 $0x1;
	p0 =	seq.s32 s7, s2  }
0x1e: {  	s7 =	smul.u32 @!p0 $0xF7A, s2;
	p2 =	seq.s32 @!p0 s5, $0x0  }
0x1f: {  	s9 =	smul.u32 $0xF7A, s1;
	s8 =	simm.s32 @!p0 $0x1BF5;
	p2 =	por !p2, p0  }
0x20: {  	[sflag:s8] =	ssyncset.s32 @!p0 $0xFFFFF086;
	s6 =	sadd.s32 @!p0 s3, s7;
	s7 =	simm.s32 @!p0 $0x108  }
0x21: {  	s3 =	sadd.s32 s3, s9;
	s6 =	sadd.s32 @!p0 $0x88, s6;
	s7 =	simm.s32 @p2 $0x1082  }
0x22: {  	[simem:s7], [sflag:s8] =	dma.local @!p0 [hbm:s6], $0xF7A  }
0x23: {  	s9 =	sor.u32 $0xD0000000, s2;
	s6 =	simm.s32 $0x108;
	_ =	swait.ge @!p0 [sflag:s8], $0x0  }
0x24: {  	s3 =	sadd.s32 $0x88, s3;
	s6 =	simm.s32 @!p1 $0x1082;
	[sflag:s4] =	ssyncset.s32 $0xFFFFF086  }
0x25: {  	[simem:s6], [sflag:s4] =	dma.local [hbm:s3], $0xF7A  }
0x26: {  	[smem:$0x3F9F] =	sst s1;
	(tag) =	ssettag s2;
	_ =	strace s9  }
0x27: {  	s1 =	sld [smem:$0x3FAF]  }
0x28: {  	s2 =	sld [smem:$0x3FB0]  }
0x29: {  	s4 =	sld [smem:$0x3FB2]  }
0x2a: {  	p0 =	seq.s32 s5, $0x0;
	s5 =	sld [smem:$0x3FB3]  }
0x2b: {  	s6 =	sld [smem:$0x3FB4]  }
0x2c: {  	s7 =	sld [smem:$0x3FB5]  }
0x2d: {  	s3 =	simm.s32 $0x108;
	s8 =	sld [smem:$0x3FB6]  }
0x2e: {  	s3 =	simm.s32 @!p0 $0x1082;
	s9 =	sld [smem:$0x3FB7]  }
0x2f: {  	lr =	sadd.s32 s0, s3;
	s0 =	sld [smem:$0x3FAE]  }
0x30: {  	s3 =	sld [smem:$0x3FB1]  }
0x31: {  	[smem:$0x3FBA] =	sst s10  }
0x32: {  	s10 =	sld [smem:$0x3FB8];
	_ =	sdelay $0x3  }
0x33: {  	p0 =	seq.s32 s10, $0x1;
	s10 =	sld [smem:$0x3FBA];
	_ =	sdelay $0x3  }
0x34: {  	[smem:$0x3FBA] =	sst s10  }
0x35: {  	s10 =	sld [smem:$0x3FB9];
	_ =	sdelay $0x3  }
0x36: {  	p1 =	seq.s32 s10, $0x1;
	s10 =	sld [smem:$0x3FBA];
	_ =	sdelay $0x3  }
0x37: {  	[smem:$0x3FBA] =	sst s10  }
0x38: {  	s10 =	sld [smem:$0x3FBB]  }
0x39: {  	_ = 	snop;
	(pc) =	sbr.ind lr, $3  }
0x3a: {  	_ = 	snop  }
0x3b: {  	_ = 	snop  }
0x3c: {  	p2 =	seq.s32 s10, $0x1;
	s10 =	sld [smem:$0x3FBA]  }
0x3d: {  	_ =	shalt  }
0x3e: {  	_ =	shalt  }
0x3f: {  	_ =	shalt  }
0x40: {  	_ =	shalt  }
0x41: {  	_ =	shalt  }
0x42: {  	_ =	shalt  }
0x43: {  	_ =	shalt  }
0x44: {  	_ =	shalt  }
0x45: {  	_ =	shalt  }
0x46: {  	_ =	shalt  }
0x47: {  	_ =	shalt  }
0x48: {  	_ =	shalt  }
0x49: {  	_ =	shalt  }
0x4a: {  	_ =	shalt  }
0x4b: {  	_ =	shalt  }
0x4c: {  	_ =	shalt  }
0x4d: {  	_ =	shalt  }
0x4e: {  	_ =	shalt  }
0x4f: {  	_ =	shalt  }
0x50: {  	_ =	shalt  }
0x51: {  	_ =	shalt  }
0x52: {  	_ =	shalt  }
0x53: {  	_ =	shalt  }
0x54: {  	_ =	shalt  }
0x55: {  	_ =	shalt  }
0x56: {  	_ =	shalt  }
0x57: {  	_ =	shalt  }
0x58: {  	_ =	shalt  }
0x59: {  	_ =	shalt  }
0x5a: {  	_ =	shalt  }
0x5b: {  	_ =	shalt  }
0x5c: {  	_ =	shalt  }
0x5d: {  	_ =	shalt  }
0x5e: {  	_ =	shalt  }
0x5f: {  	_ =	shalt  }
0x60: {  	_ =	shalt  }
0x61: {  	_ =	shalt  }
0x62: {  	_ =	shalt  }
0x63: {  	_ =	shalt  }
0x64: {  	_ =	shalt  }
0x65: {  	_ =	shalt  }
0x66: {  	_ =	shalt  }
0x67: {  	_ =	shalt  }
0x68: {  	_ =	shalt  }
0x69: {  	_ =	shalt  }
0x6a: {  	_ =	shalt  }
0x6b: {  	_ =	shalt  }
0x6c: {  	_ =	shalt  }
0x6d: {  	_ =	shalt  }
0x6e: {  	_ =	shalt  }
0x6f: {  	_ =	shalt  }
0x70: {  	_ =	shalt  }
0x71: {  	_ =	shalt  }
0x72: {  	_ =	shalt  }
0x73: {  	_ =	shalt  }
0x74: {  	_ =	shalt  }
0x75: {  	_ =	shalt  }
0x76: {  	_ =	shalt  }
0x77: {  	_ =	shalt  }
0x78: {  	_ =	shalt  }
0x79: {  	_ =	shalt  }
0x7a: {  	_ =	shalt  }
0x7b: {  	_ =	shalt  }
0x7c: {  	_ =	shalt  }
0x7d: {  	_ =	shalt  }
0x7e: {  	_ =	shalt  }
0x7f: {  	_ =	shalt  }
0x80: {  	_ =	shalt  }
0x81: {  	_ =	shalt  }
0x82: {  	_ =	shalt  }
0x83: {  	_ =	shalt  }
0x84: {  	_ =	shalt  }
0x85: {  	_ =	shalt  }
0x86: {  	_ =	shalt  }
0x87: {  	_ =	shalt  }
.Lfunc_end0:
.L_simem_size_0:
called_computation_lowered:
.L_overlay_start_0:
0x88: {  	s2 =	sld [smem:$0x3FD9]  }
0x89: {  	s3 =	sld [smem:$0x3FFE];
	_ =	sdelay $0x1  }
0x8a: {  	s1 =	srdreg.scid  }
0x8b: {  	s0 =	sand.u32 $0x1, s1  }
0x8c: {  	s17 =	sshll.u32 s0, $0xA;
	s2 =	sadd.s32 s3, s2  }
0x8d: {  	s2 =	sadd.s32 s2, s17  }
0x8e: {  	[smem:$0x3FC6] =	sst s2  }
0x8f: {  	_ = 	snop  }
0x90: {  	s2 =	sld [smem:$0x3FD0];
	(tm) =	ssettm $0x1  }
0x91: {  	s18 =	sld [smem:$0x3FFB];
	_ =	sdelay $0x3  }
0x92: {  	_ =	strace s18  }
0x93: {  	s3 =	sld [smem:$0x3FFC];
	_ =	sdelay $0x3  }
0x94: {  	_ =	strace s3  }
0x95: {  	s3 =	sld [smem:$0x3FFD];
	_ =	sdelay $0x3  }
0x96: {  	_ =	strace s3  }
0x97: {  	_ =	strace $0x8FFFFFFF  }
0x98: {  	s19 =	sld [smem:$0x3FDB];
	_ =	sdelay $0x1  }
0x99: {  	s4 =	simm.s32 $_scs_section_size  }
0x9a: {  	s5 =	simm.s32 $_size__tile_overlayer_lowered;
	s6 =	simm.s32 $_tile_overlayer_lowered  }
0x9b: {  	s22 =	simm.s32 $0x1BFF;
	s21 =	sshll.u32 s6, $0x1;
	s3 =	sadd.s32 s4, s19  }
0x9c: {  	s7 =	simm.s32 $0x0;
	s20 =	sshll.u32 s5, $0x1;
	s5 =	sadd.s32 s21, s3  }
0x9d: {  	[timem:s7], [sflag:s22] =	dma.local [hbm:s5], s20  }
0x9e: {  	_ =	swait.ge [sflag:s22], s20  }
0x9f: {  	s4 =	ssub.s32 $0x0, s20;
	[sflag:s22] =	ssyncset.done $0x0  }
0xa0: {  	[sflag:s22] =	ssyncadd.s32 s4;
	_ =	sdelay $0x1  }
0xa1: {  	s23 =	simm.s32 $0x1B8B  }
0xa2: {  	_ =	swait.ge [sflag:s23], $0x1  }
0xa3: {  	[sflag:s23] =	ssyncset.done $0x0  }
0xa4: {  	s25 =	simm.s32 $0x1B8E;
	s24 =	sld [smem:$0x3FFE];
	[sflag:s23] =	ssyncadd.s32 $0xFFFFFFFF  }
0xa5: {  	s26 =	simm.s32 $execute0_lowered;
	[smem:$0x3FD2] =	sst s25  }
0xa6: {  	s5 =	sshll.u32 s26, $0x1;
	_ =	strace $0x80000046;
	[dreg:$0x1] =	wrdreg $0xFFFFFFFF  }
0xa7: {  	s28 =	simm.s32 $_size_execute0_lowered;
	s3 =	sadd.s32 s3, s5;
	[dreg:$0x0] =	wrdreg $0x0  }
0xa8: {  	s5 =	sshll.u32 s28, $0x1;
	[dreg:$0x2] =	wrdreg s3  }
0xa9: {  	[dreg:$0x3] =	wrdreg s5  }
0xaa: {  	[dreg:$0x4] =	wrdreg $0xC0  }
0xab: {  	_ =	task [dreg:s7], $0x5FFFF  }
0xac: {  	[dreg:$0x1] =	wrdreg $0xFFFFFFFF  }
0xad: {  	[dreg:$0x0] =	wrdreg $0x60  }
0xae: {  	[dreg:$0x2] =	wrdreg s2  }
0xaf: {  	[dreg:$0x3] =	wrdreg s24  }
0xb0: {  	[dreg:$0x4] =	wrdreg $0x9  }
0xb1: {  	_ =	task.clear_ibuf [dreg:s7], $0x5FFFF;
	_ =	strace $0x90000046  }
0xb2: {  	s29 =	simm.s32 $0x9;
	_ =	strace $0x80000048  }
0xb3: {  	_ =	swait.ge [sflag:s29], $0x1  }
0xb4: {  	[sflag:s29] =	ssyncadd.s32 $0xFFFFFFFF  }
0xb5: {  	_ =	strace $0x90000048  }
0xb6: {  	_ =	sfence  }
0xb7: {  	s30 =	sld [smem:$0x0];
	_ =	sdelay $0x2  }
0xb8: {  	s31 =	sshll.u32 s1, $0xD;
	s1 =	sshrl.u32 s1, $0x2  }
0xb9: {  	s3 =	sand.u32 $0x4000, s31;
	s1 =	sadd.s32 s1, s30  }
0xba: {  	s0 =	sor.u32 s3, s0;
	s1 =	sshll.u32 s1, $0x11  }
0xbb: {  	s0 =	sor.u32 s1, s0  }
0xbc: {  	s0 =	sadd.s32 $0x8F2B, s0  }
0xbd: {  	[sflag:s0] =	ssyncadd.remote.s32 $0x1  }
0xbe: {  	_ =	sfence.sel $0xFFFF  }
0xbf: {  	[dreg:$0x0] =	wrdreg $0xFFFFFFFF;
	(pc) =	sbr.abs _section_cstart, $3  }
0xc0: {  	[dreg:$0x1] =	wrdreg $0xFFFFFFFF  }
0xc1: {  	_ =	task.clear_ibuf [dreg:s7], $0x2FFFF;
	_ =	strace $0x9FFFFFFF  }
0xc2: {  	(tm) =	ssettm $0x7FFFFFFF  }
0xc3: {  	_ =	shalt  }
tec
execute0_lowered:
.L_overlay_start_1:
0x0: {  	(tag) =	ssettag $0x1  }
0x1: {  	s1 =	srdreg.scid;
	s0 =	stileid.u32  }
0x2: {  	s2 =	rddreg [dreg:$0x0];
	s23 =	sand.u32 $0x1, s1;
	s31 =	sshll.u32 s0, $0x1  }
0x3: {  	s22 =	rddreg [dreg:$0x1];
	s24 =	sor.u32 s23, s31  }
0x4: {  	s3 =	simm.s32 $0x0;
	s1 =	rddreg [dreg:$0x2];
	s4 =	sshll.u32 s24, $0x7  }
0x5: {  	[smem:$0x7FF] =	sst s3;
	s4 =	sadd.s32 s4, s22  }
0x6: {  	_ =	strace $0x80000047;
	s5 =	sadd.s32 $0x800, s4;
	s4 =	simm.s32 $0x2  }
0x7: {  	[tilespmem:s3], [sflag:$0x2] =	stream.linear.gather [hbm4b:s5+s3], $0x400, $0x38;
	[tilespmem:$0x8400] =	vst v63  }
0x8: {  	_ =	swait.ge [sflag:s4], $0x400  }
0x9: {  	[sflag:s4] =	ssyncset.done $0x0  }
0xa: {  	s6 =	simm.s32 $0x80;
	s7 =	simm.s32 $0x400;
	[sflag:s4] =	ssyncadd.s32 $0xFFFFFC00  }
0xb: {  	[tilespmem:s7], [sflag:$0x1] =	stream.indirect.gather [hbm4b:s2+s6], $0x20, s3, s6, $0xb8;
	[tilespmem:$0x8400] =	vst v63  }
0xc: {  	s8 =	simm.s32 $0x1400  }
0xd: {  	[tilespmem:s8], [sflag:$0x1] =	stream.indirect.gather [hbm4b:s2+s6], $0x20, s6, s6, $0xb8;
	[tilespmem:$0x8400] =	vst v63  }
0xe: {  	s9 =	simm.s32 $0x100;
	s10 =	simm.s32 $0x2400  }
0xf: {  	[tilespmem:s10], [sflag:$0x1] =	stream.indirect.gather [hbm4b:s2+s6], $0x20, s9, s6, $0xb8;
	[tilespmem:$0x8400] =	vst v63  }
0x10: {  	s11 =	simm.s32 $0x180;
	s12 =	simm.s32 $0x3400  }
0x11: {  	[tilespmem:s12], [sflag:$0x1] =	stream.indirect.gather [hbm4b:s2+s6], $0x20, s11, s6, $0xb8;
	[tilespmem:$0x8400] =	vst v63  }
0x12: {  	s13 =	simm.s32 $0x200;
	s14 =	simm.s32 $0x4400  }
0x13: {  	[tilespmem:s14], [sflag:$0x1] =	stream.indirect.gather [hbm4b:s2+s6], $0x20, s13, s6, $0xb8;
	[tilespmem:$0x8400] =	vst v63  }
0x14: {  	s15 =	simm.s32 $0x280;
	s16 =	simm.s32 $0x5400  }
0x15: {  	[tilespmem:s16], [sflag:$0x1] =	stream.indirect.gather [hbm4b:s2+s6], $0x20, s15, s6, $0xb8;
	[tilespmem:$0x8400] =	vst v63  }
0x16: {  	s17 =	simm.s32 $0x300;
	s18 =	simm.s32 $0x6400  }
0x17: {  	[tilespmem:s18], [sflag:$0x1] =	stream.indirect.gather [hbm4b:s2+s6], $0x20, s17, s6, $0xb8;
	[tilespmem:$0x8400] =	vst v63  }
0x18: {  	s19 =	simm.s32 $0x380;
	s20 =	simm.s32 $0x7400;
	s21 =	simm.s32 $0x1  }
0x19: {  	[tilespmem:s20], [sflag:$0x1] =	stream.indirect.gather [hbm4b:s2+s6], $0x20, s19, s6, $0xb8;
	[tilespmem:$0x8400] =	vst v63  }
0x1a: {  	_ =	swait.ge [sflag:s21], $0x1000  }
0x1b: {  	[sflag:s21] =	ssyncset.done $0x0  }
0x1c: {  	[sflag:s21] =	ssyncadd.s32 $0xFFFFF000  }
0x1d: {  	_ =	swait.ge [sflag:s21], $0x1000  }
0x1e: {  	[sflag:s21] =	ssyncset.done $0x0  }
0x1f: {  	[sflag:s21] =	ssyncadd.s32 $0xFFFFF000  }
0x20: {  	_ =	swait.ge [sflag:s21], $0x1000  }
0x21: {  	[sflag:s21] =	ssyncset.done $0x0  }
0x22: {  	[sflag:s21] =	ssyncadd.s32 $0xFFFFF000  }
0x23: {  	_ =	swait.ge [sflag:s21], $0x1000  }
0x24: {  	[sflag:s21] =	ssyncset.done $0x0  }
0x25: {  	[sflag:s21] =	ssyncadd.s32 $0xFFFFF000  }
0x26: {  	_ =	swait.ge [sflag:s21], $0x1000  }
0x27: {  	[sflag:s21] =	ssyncset.done $0x0  }
0x28: {  	[sflag:s21] =	ssyncadd.s32 $0xFFFFF000  }
0x29: {  	_ =	swait.ge [sflag:s21], $0x1000  }
0x2a: {  	[sflag:s21] =	ssyncset.done $0x0  }
0x2b: {  	s23 =	ssub.s32 $0x2, s23;
	[sflag:s21] =	ssyncadd.s32 $0xFFFFF000  }
0x2c: {  	s25 =	sshrl.u32 s23, $0x1;
	_ =	swait.ge [sflag:s21], $0x1000  }
0x2d: {  	s23 =	ssub.s32 s23, s25;
	[sflag:s21] =	ssyncset.done $0x0  }
0x2e: {  	s23 =	smax.u32 s23, $0x1;
	[sflag:s21] =	ssyncadd.s32 $0xFFFFF000  }
0x2f: {  	s24 =	sshll.u32 s24, $0xC;
	p0 =	sne.s32 s23, $0x1;
	_ =	swait.ge [sflag:s21], $0x1000  }
.Ltmp0:
0x30: {  	s22 =	sadd.s32 s24, s22;
	[sflag:s21] =	ssyncset.done $0x0;
	(pc) =	sbr.rel @!p0 .LBB2_2-.Ltmp0, $4  }
0x31: {  	s22 =	sadd.s32 $0x1800, s22;
	[sflag:s21] =	ssyncadd.s32 $0xFFFFF000  }
0x32: {  	[hbm4b:s22+s3] =	stream.linear.scatter [tilespmem:s7], [sflag:$0x2], $0x8000, $0x38;
	[tilespmem:$0x8400] =	vst v63  }
0x33: {  	_ =	swait.ge [sflag:s4], $0x8000  }
0x34: {  	s23 =	sadd.s32 $0xFFFFFFFF, s23;
	[sflag:s4] =	ssyncset.done $0x0  }
.LBB2_1:
0x35: {  	p0 =	sne.s32 s23, $0x1;
	s23 =	sadd.s32 $0xFFFFFFFF, s23;
	[sflag:s4] =	ssyncadd.s32 $0xFFFF8000  }
0x36: {  	[tilespmem:s3], [sflag:$0x2] =	stream.linear.gather [hbm4b:s5+s3], $0x400, $0x38;
	[tilespmem:$0x8400] =	vst v63  }
0x37: {  	_ =	swait.ge [sflag:s4], $0x400  }
0x38: {  	[sflag:s4] =	ssyncset.done $0x0  }
0x39: {  	[sflag:s4] =	ssyncadd.s32 $0xFFFFFC00  }
0x3a: {  	[tilespmem:s7], [sflag:$0x1] =	stream.indirect.gather [hbm4b:s2+s6], $0x20, s3, s6, $0xb8;
	[tilespmem:$0x8400] =	vst v63  }
0x3b: {  	_ = 	snop  }
0x3c: {  	[tilespmem:s8], [sflag:$0x1] =	stream.indirect.gather [hbm4b:s2+s6], $0x20, s6, s6, $0xb8;
	[tilespmem:$0x8400] =	vst v63  }
0x3d: {  	_ = 	snop  }
0x3e: {  	[tilespmem:s10], [sflag:$0x1] =	stream.indirect.gather [hbm4b:s2+s6], $0x20, s9, s6, $0xb8;
	[tilespmem:$0x8400] =	vst v63  }
0x3f: {  	_ = 	snop  }
0x40: {  	[tilespmem:s12], [sflag:$0x1] =	stream.indirect.gather [hbm4b:s2+s6], $0x20, s11, s6, $0xb8;
	[tilespmem:$0x8400] =	vst v63  }
0x41: {  	_ = 	snop  }
0x42: {  	[tilespmem:s14], [sflag:$0x1] =	stream.indirect.gather [hbm4b:s2+s6], $0x20, s13, s6, $0xb8;
	[tilespmem:$0x8400] =	vst v63  }
0x43: {  	_ = 	snop  }
0x44: {  	[tilespmem:s16], [sflag:$0x1] =	stream.indirect.gather [hbm4b:s2+s6], $0x20, s15, s6, $0xb8;
	[tilespmem:$0x8400] =	vst v63  }
0x45: {  	_ = 	snop  }
0x46: {  	[tilespmem:s18], [sflag:$0x1] =	stream.indirect.gather [hbm4b:s2+s6], $0x20, s17, s6, $0xb8;
	[tilespmem:$0x8400] =	vst v63  }
0x47: {  	_ = 	snop  }
0x48: {  	[tilespmem:s20], [sflag:$0x1] =	stream.indirect.gather [hbm4b:s2+s6], $0x20, s19, s6, $0xb8;
	[tilespmem:$0x8400] =	vst v63  }
0x49: {  	_ =	swait.ge [sflag:s21], $0x1000  }
0x4a: {  	[sflag:s21] =	ssyncset.done $0x0  }
0x4b: {  	[sflag:s21] =	ssyncadd.s32 $0xFFFFF000  }
0x4c: {  	_ =	swait.ge [sflag:s21], $0x1000  }
0x4d: {  	[sflag:s21] =	ssyncset.done $0x0  }
0x4e: {  	[sflag:s21] =	ssyncadd.s32 $0xFFFFF000  }
0x4f: {  	_ =	swait.ge [sflag:s21], $0x1000  }
0x50: {  	[sflag:s21] =	ssyncset.done $0x0  }
0x51: {  	[sflag:s21] =	ssyncadd.s32 $0xFFFFF000  }
0x52: {  	_ =	swait.ge [sflag:s21], $0x1000  }
0x53: {  	[sflag:s21] =	ssyncset.done $0x0  }
0x54: {  	[sflag:s21] =	ssyncadd.s32 $0xFFFFF000  }
0x55: {  	_ =	swait.ge [sflag:s21], $0x1000  }
0x56: {  	[sflag:s21] =	ssyncset.done $0x0  }
0x57: {  	[sflag:s21] =	ssyncadd.s32 $0xFFFFF000  }
0x58: {  	_ =	swait.ge [sflag:s21], $0x1000  }
0x59: {  	[sflag:s21] =	ssyncset.done $0x0  }
0x5a: {  	[sflag:s21] =	ssyncadd.s32 $0xFFFFF000  }
0x5b: {  	_ =	swait.ge [sflag:s21], $0x1000  }
0x5c: {  	[sflag:s21] =	ssyncset.done $0x0  }
0x5d: {  	[sflag:s21] =	ssyncadd.s32 $0xFFFFF000  }
0x5e: {  	_ =	swait.ge [sflag:s21], $0x1000  }
.Ltmp1:
0x5f: {  	[sflag:s21] =	ssyncset.done $0x0;
	(pc) =	sbr.rel @p0 .LBB2_1-.Ltmp1, $4  }
0x60: {  	[sflag:s21] =	ssyncadd.s32 $0xFFFFF000  }
0x61: {  	[hbm4b:s22+s3] =	stream.linear.scatter [tilespmem:s7], [sflag:$0x2], $0x8000, $0x38;
	[tilespmem:$0x8400] =	vst v63  }
0x62: {  	_ =	swait.ge [sflag:s4], $0x8000  }
0x63: {  	[sflag:s4] =	ssyncset.done $0x0  }
.LBB2_2:
0x64: {  	[sflag:s4] =	ssyncadd.s32 $0xFFFF8000  }
0x65: {  	_ =	sfence.sel $0x180000  }
0x66: {  	[bflag:$0x0] =	sbarrier.arrive $0xFFFF  }
0x67: {  	p0 =	sne.s32 s0, $0x0;
	_ =	strace $0x90000047  }
0x68: {  	s0 =	sadd.s32 @!p0 $0x100000, s1;
	[bflag:$0x2] =	sbarrier.arrive $0xFFFF  }
0x69: {  	[sflag:s0] =	ssyncadd.tile.s32 @!p0 $0x1;
	_ =	shalt  }
.Lfunc_end2:
_tile_overlayer_lowered:
.L_overlay_start_2:
0x6a: {  	(tag) =	ssettag $0x2  }
0x6b: {  	s0 =	rddreg [dreg:$0x0];
	s2 =	stileid.u32  }
0x6c: {  	s1 =	rddreg [dreg:$0x1];
	p0 =	sne.s32 s2, $0x0  }
0x6d: {  	s3 =	rddreg [dreg:$0x2];
	[bflag:$0x3] =	sbarrier.arrive $0xFFFF;
	s2 =	simm.s32 @!p0 $0x1C02  }
0x6e: {  	[timem:s3], [sflag:s2] =	dma.local @!p0 [hbm:s0], s1  }
0x6f: {  	s0 =	simm.s32 @!p0 $0x2  }
0x70: {  	_ =	swait.ge @!p0 [sflag:s0], s1  }
0x71: {  	s1 =	ssub.s32 @!p0 $0x0, s1;
	[sflag:s0] =	ssyncset.done @!p0 $0x0  }
0x72: {  	[sflag:s0] =	ssyncadd.s32 @!p0 s1  }
0x73: {  	[bflag:$0x3] =	sbarrier.arrive $0xFFFF  }
0x74: {  	_ =	shalt  }

</sc_bundles>
